<compile_context>
chip_gen: v7x
topology: tpu7x:2x2x1
jax: 0.10.2.dev20260603
libtpu: 0.0.44.dev20260713+nightly
codegen_flags: <defaults>
</compile_context>

<pallas_src>
import jax
import jax.numpy as jnp
from jax import lax
from jax.experimental import pallas as pl
from jax.experimental.pallas import tpu as pltpu
from jax.experimental.pallas import tpu_sc as plsc

B = 16384
F_SPARSE = 26
EMB = 16
VOCAB = 100000
DENSE = 13
SE_DIM = F_SPARSE * EMB

NC = 2
NS = 16
NW = NC * NS
N_ROWS = B * F_SPARSE
PER_W = N_ROWS // NW
CHUNK = 512
N_CHUNKS = PER_W // CHUNK


def _sc_gather_body(idx_hbm, tab_hbm, out_hbm, idx_v, rows0, rows1,
                    sem0, sem1, osem0, osem1):
    wid = lax.axis_index("s") * NC + lax.axis_index("c")
    base = wid * PER_W
    pltpu.sync_copy(idx_hbm.at[wid], idx_v)

    def out_slice(j):
        start = pl.multiple_of(base + j * CHUNK, CHUNK)
        return out_hbm.at[pl.ds(start, CHUNK)]

    pltpu.async_copy(tab_hbm.at[idx_v.at[0]], rows0, sem0)

    def pair(jj, _):
        j0 = 2 * jj

        @pl.when(jj > 0)
        def _():
            pltpu.make_async_copy(rows1, out_slice(j0 - 1), osem1).wait()
        pltpu.async_copy(tab_hbm.at[idx_v.at[j0 + 1]], rows1, sem1)
        pltpu.make_async_copy(tab_hbm.at[idx_v.at[j0]], rows0, sem0).wait()
        pltpu.async_copy(rows0, out_slice(j0), osem0)

        pltpu.make_async_copy(rows0, out_slice(j0), osem0).wait()
        jn = jnp.minimum(j0 + 2, N_CHUNKS - 1)
        pltpu.async_copy(tab_hbm.at[idx_v.at[jn]], rows0, sem0)
        pltpu.make_async_copy(tab_hbm.at[idx_v.at[j0 + 1]], rows1, sem1).wait()
        pltpu.async_copy(rows1, out_slice(j0 + 1), osem1)
        return 0

    lax.fori_loop(0, N_CHUNKS // 2, pair, 0)
    pltpu.make_async_copy(
        tab_hbm.at[idx_v.at[N_CHUNKS - 1]], rows0, sem0).wait()
    pltpu.make_async_copy(rows1, out_slice(N_CHUNKS - 1), osem1).wait()


def _sc_gather(idx, tab_flat, interpret=False):
    mesh = plsc.VectorSubcoreMesh(
        core_axis_name="c", subcore_axis_name="s",
        num_cores=NC, num_subcores=NS)
    return pl.kernel(
        _sc_gather_body,
        out_type=jax.ShapeDtypeStruct((N_ROWS, EMB), jnp.float32),
        mesh=mesh,
        scratch_types=[
            pltpu.VMEM((N_CHUNKS, CHUNK), jnp.int32),
            pltpu.VMEM((CHUNK, EMB), jnp.float32),
            pltpu.VMEM((CHUNK, EMB), jnp.float32),
            pltpu.SemaphoreType.DMA,
            pltpu.SemaphoreType.DMA,
            pltpu.SemaphoreType.DMA,
            pltpu.SemaphoreType.DMA,
        ],
        compiler_params=pltpu.CompilerParams(use_tc_tiling_on_sc=False),
        interpret=interpret,
    )(idx, tab_flat)


def _mlp_body(se_ref, xd_ref, w1s_ref, w1d_ref, b1_ref, w2_ref, b2_ref,
              w3_ref, b3_ref, ww_ref, bw_ref, mix_ref,
              logit_ref, prob_ref):
    xd = xd_ref[...]
    h = jnp.dot(se_ref[...], w1s_ref[...], preferred_element_type=jnp.float32)
    h += jnp.dot(xd, w1d_ref[...], preferred_element_type=jnp.float32)
    h = jnp.maximum(h + b1_ref[...], 0.0)
    h = jnp.maximum(
        jnp.dot(h, w2_ref[...], preferred_element_type=jnp.float32)
        + b2_ref[...], 0.0)
    deep = jnp.dot(h, w3_ref[...], preferred_element_type=jnp.float32) + b3_ref[...]
    wide = jnp.dot(xd, ww_ref[...], preferred_element_type=jnp.float32) + bw_ref[...]
    e = jnp.exp(mix_ref[...] - jnp.max(mix_ref[...]))
    w = e / jnp.sum(e)
    logit = wide * w[0:1, 0:1] + deep * w[0:1, 1:2]
    logit_ref[...] = logit
    prob_ref[...] = 1.0 / (1.0 + jnp.exp(-logit))


def _mlp(se, xd, w1s, w1d, b1, w2, b2, w3, b3, ww, bw, mix, interpret=False):
    BB = 2048
    grid = (B // BB,)
    const = lambda shape: pl.BlockSpec(shape, lambda i: tuple(0 for _ in shape))
    return pl.pallas_call(
        _mlp_body,
        grid=grid,
        in_specs=[
            pl.BlockSpec((BB, SE_DIM), lambda i: (i, 0)),
            pl.BlockSpec((BB, DENSE), lambda i: (i, 0)),
            const((SE_DIM, 64)),
            const((DENSE, 64)),
            const((1, 64)),
            const((64, 32)),
            const((1, 32)),
            const((32, 1)),
            const((1, 1)),
            const((DENSE, 1)),
            const((1, 1)),
            const((1, 2)),
        ],
        out_specs=[
            pl.BlockSpec((BB, 1), lambda i: (i, 0)),
            pl.BlockSpec((BB, 1), lambda i: (i, 0)),
        ],
        out_shape=[
            jax.ShapeDtypeStruct((B, 1), jnp.float32),
            jax.ShapeDtypeStruct((B, 1), jnp.float32),
        ],
        interpret=interpret,
    )(se, xd, w1s, w1d, b1, w2, b2, w3, b3, ww, bw, mix)


@jax.jit
def kernel(x_sparse, x_dense, tables, W_wide, b_wide, W1, b1, W2, b2, W3, b3, mix):
    t128 = tables.reshape(F_SPARSE * VOCAB * EMB // 128, 128)
    tab_flat = t128.reshape(F_SPARSE * VOCAB, EMB)
    offs = (jnp.arange(F_SPARSE, dtype=jnp.int32) * VOCAB)[None, :]
    idx = (x_sparse.astype(jnp.int32) + offs).reshape(NW, N_CHUNKS, CHUNK)
    se = _sc_gather(idx, tab_flat).reshape(B, SE_DIM)
    logit, prob = _mlp(
        se, x_dense,
        W1[:SE_DIM], W1[SE_DIM:], b1.reshape(1, 64),
        W2, b2.reshape(1, 32), W3, b3.reshape(1, 1),
        W_wide, b_wide.reshape(1, 1), mix.reshape(1, 2))
    return (logit, prob)

# --- scband reference (transcript-rebuilt; emitter-appended) ---
"""Pipeline reference for scband-wide-deep-34419867910723 (READ-ONLY COPY).

The authoritative reference and input builder live on the scoring server;
editing this copy changes nothing except your own understanding.
"""

import jax, jax.numpy as jnp
import numpy as np

B = 16384
F_SPARSE = 26
EMB = 16
VOCAB = 100000
DENSE = 13
DEEP_IN = DENSE + F_SPARSE * EMB  # 429

def setup_inputs(seed: int = 0) -> dict:
    key = jax.random.key(seed)
    ks = jax.random.split(key, 12)
    x_sparse = jax.random.randint(ks[0], (B, F_SPARSE), 0, VOCAB, dtype=jnp.int64) if jax.config.jax_enable_x64 else jax.random.randint(ks[0], (B, F_SPARSE), 0, VOCAB, dtype=jnp.int32)
    x_dense = jax.random.normal(ks[1], (B, DENSE), dtype=jnp.float32)
    tables = jax.random.normal(ks[2], (F_SPARSE, VOCAB, EMB), dtype=jnp.float32) * 0.05
    W_wide = jax.random.normal(ks[3], (DENSE, 1), dtype=jnp.float32) * (2.0 / DENSE) ** 0.5
    b_wide = jnp.zeros((1,), dtype=jnp.float32)
    W1 = jax.random.normal(ks[4], (DEEP_IN, 64), dtype=jnp.float32) * (2.0 / DEEP_IN) ** 0.5
    b1 = jnp.zeros((64,), dtype=jnp.float32)
    W2 = jax.random.normal(ks[5], (64, 32), dtype=jnp.float32) * (2.0 / 64) ** 0.5
    b2 = jnp.zeros((32,), dtype=jnp.float32)
    W3 = jax.random.normal(ks[6], (32, 1), dtype=jnp.float32) * (2.0 / 32) ** 0.5
    b3 = jnp.zeros((1,), dtype=jnp.float32)
    mix = jnp.ones((2,), dtype=jnp.float32)
    return {"x_sparse": x_sparse, "x_dense": x_dense, "tables": tables,
            "W_wide": W_wide, "b_wide": b_wide, "W1": W1, "b1": b1,
            "W2": W2, "b2": b2, "W3": W3, "b3": b3, "mix": mix}

def reference(x_sparse, x_dense, tables, W_wide, b_wide, W1, b1, W2, b2, W3, b3, mix):
    # per-field embedding lookup (gather), matching nn.ModuleList of nn.Embedding
    embeds = [jnp.take(tables[i], x_sparse[:, i], axis=0) for i in range(F_SPARSE)]  # each [B, EMB]
    sparse_embed = jnp.concatenate(embeds, axis=1)  # [B, F_SPARSE*EMB]
    wide_out = x_dense @ W_wide + b_wide  # [B, 1]
    deep_in = jnp.concatenate([sparse_embed, x_dense], axis=1)  # [B, DEEP_IN]
    h = jax.nn.relu(deep_in @ W1 + b1)
    h = jax.nn.relu(h @ W2 + b2)
    deep_out = h @ W3 + b3  # [B, 1]
    w = jax.nn.softmax(mix, axis=0)
    logit = w[0] * wide_out + w[1] * deep_out
    prob = jax.nn.sigmoid(logit)
    return (logit, prob)

if __name__ == "__main__":
    import jax
    _d = setup_inputs()
    print(jax.jit(kernel)(*tuple(_d.values())))

</pallas_src>

<mosaic_0001>
#map = affine_map<(d0, d1) -> (0, 0, 0)>
#map1 = affine_map<(d0, d1) -> (0, 0)>
module attributes {stable_mosaic.version = 14 : i64} {
  func.func @_sc_gather_body(%arg0: i32, %arg1: i32, %arg2: memref<32x26x512xi32, #tpu.memory_space<hbm>>, %arg3: memref<2600000x16xf32, #tpu.memory_space<hbm>>, %arg4: memref<425984x16xf32, #tpu.memory_space<hbm>>, %arg5: memref<26x512xi32, #tpu.memory_space<vmem>>, %arg6: memref<512x16xf32, #tpu.memory_space<vmem>>, %arg7: memref<512x16xf32, #tpu.memory_space<vmem>>, %arg8: memref<!tpu.dma_semaphore, #tpu.memory_space<semaphore_mem>>, %arg9: memref<!tpu.dma_semaphore, #tpu.memory_space<semaphore_mem>>, %arg10: memref<!tpu.dma_semaphore, #tpu.memory_space<semaphore_mem>>, %arg11: memref<!tpu.dma_semaphore, #tpu.memory_space<semaphore_mem>>) attributes {dimension_semantics = [#tpu.dimension_semantics<core_parallel>, #tpu.dimension_semantics<subcore_parallel>], iteration_bounds = array<i64: 2, 16>, scalar_prefetch = 0 : i64, scratch_operands = 7 : i64, tpu.core_type = #tpu.core_type<sc_vector_subcore>, window_params = [{transform_indices = #map}, {transform_indices = #map1}, {transform_indices = #map1}]} {
    %mul3A = arith.constant 2 : i32
    %mul3A_0 = arith.muli %arg1, %mul3A : i32
    %add3A = arith.addi %mul3A_0, %arg0 : i32
    %mul3A_1 = arith.constant 13312 : i32
    %mul3A_2 = arith.muli %add3A, %mul3A_1 : i32
    "tpu.region"() ({
      %run_scoped3A = tpu.sem_alloc : memref<!tpu.dma_semaphore, #tpu.memory_space<semaphore_mem>>
      %dma_start3A_27 = arith.constant 0 : i32
      %dma_start3A_28 = arith.constant 0 : i32
      %dma_start3A_29 = tpu.memref_slice %arg2[%add3A, %dma_start3A_27, %dma_start3A_28] : memref<32x26x512xi32, #tpu.memory_space<hbm>> -> memref<1x26x512xi32, #tpu.memory_space<hbm>>
      %dma_start3A_30 = tpu.memref_squeeze %dma_start3A_29 : memref<1x26x512xi32, #tpu.memory_space<hbm>> -> memref<26x512xi32, #tpu.memory_space<hbm>>
      %dma_start3A_31 = arith.constant 0 : i32
      %dma_start3A_32 = arith.constant 0 : i32
      %dma_start3A_33 = tpu.memref_slice %arg2[%add3A, %dma_start3A_31, %dma_start3A_32] : memref<32x26x512xi32, #tpu.memory_space<hbm>> -> memref<1x26x512xi32, #tpu.memory_space<hbm>>
      %dma_start3A_34 = tpu.memref_squeeze %dma_start3A_33 : memref<1x26x512xi32, #tpu.memory_space<hbm>> -> memref<26x512xi32, #tpu.memory_space<hbm>>
      tpu.enqueue_dma source(%dma_start3A_34 : memref<26x512xi32, #tpu.memory_space<hbm>>) target(%arg5 : memref<26x512xi32, #tpu.memory_space<vmem>>) target_semaphore(%run_scoped3A : memref<!tpu.dma_semaphore, #tpu.memory_space<semaphore_mem>>)
      %dma_wait3A_35 = arith.constant 0 : i32
      %dma_wait3A_36 = arith.constant 0 : i32
      %dma_wait3A_37 = tpu.memref_slice %arg2[%add3A, %dma_wait3A_35, %dma_wait3A_36] : memref<32x26x512xi32, #tpu.memory_space<hbm>> -> memref<1x26x512xi32, #tpu.memory_space<hbm>>
      %dma_wait3A_38 = tpu.memref_squeeze %dma_wait3A_37 : memref<1x26x512xi32, #tpu.memory_space<hbm>> -> memref<26x512xi32, #tpu.memory_space<hbm>>
      %dma_wait3A_39 = arith.constant 0 : i32
      %dma_wait3A_40 = arith.constant 0 : i32
      %dma_wait3A_41 = tpu.memref_slice %arg2[%add3A, %dma_wait3A_39, %dma_wait3A_40] : memref<32x26x512xi32, #tpu.memory_space<hbm>> -> memref<1x26x512xi32, #tpu.memory_space<hbm>>
      %dma_wait3A_42 = tpu.memref_squeeze %dma_wait3A_41 : memref<1x26x512xi32, #tpu.memory_space<hbm>> -> memref<26x512xi32, #tpu.memory_space<hbm>>
      tpu.wait_dma2 semaphore(%run_scoped3A : memref<!tpu.dma_semaphore, #tpu.memory_space<semaphore_mem>>) src(%dma_wait3A_42 : memref<26x512xi32, #tpu.memory_space<hbm>>) dst(%arg5 : memref<26x512xi32, #tpu.memory_space<vmem>>)
      tpu.yield
    }) : () -> ()
    %dma_start3A = arith.constant 0 : i32
    %dma_start3A_3 = arith.constant 0 : i32
    %dma_start3A_4 = tpu.memref_slice %arg5[%dma_start3A, %dma_start3A_3] : memref<26x512xi32, #tpu.memory_space<vmem>> -> memref<1x512xi32, #tpu.memory_space<vmem>>
    %dma_start3A_5 = tpu.memref_squeeze %dma_start3A_4 : memref<1x512xi32, #tpu.memory_space<vmem>> -> memref<512xi32, #tpu.memory_space<vmem>>
    %dma_start3A_6 = arith.constant 0 : i32
    %dma_start3A_7 = arith.constant 0 : i32
    %dma_start3A_8 = tpu.memref_slice %arg3[%dma_start3A_6, %dma_start3A_7] : memref<2600000x16xf32, #tpu.memory_space<hbm>> -> memref<2600000x16xf32, #tpu.memory_space<hbm>>
    tpu.enqueue_indirect_dma source(%dma_start3A_8 : memref<2600000x16xf32, #tpu.memory_space<hbm>>) target(%arg6 : memref<512x16xf32, #tpu.memory_space<vmem>>) offsets(%dma_start3A_5 : memref<512xi32, #tpu.memory_space<vmem>>) semaphore(%arg8 : memref<!tpu.dma_semaphore, #tpu.memory_space<semaphore_mem>>)
    %scan3A = arith.constant 0 : i32
    %scan3A_9 = arith.constant 0 : i32
    %scan3A_10 = arith.constant 13 : i32
    %scan3A_11 = arith.addi %scan3A_9, %scan3A_10 : i32
    %scan3A_12 = arith.constant 1 : i32
    %scan3A_13 = scf.for %scan3A_27 = %scan3A_9 to %scan3A_11 step %scan3A_12 iter_args(%scan3A_28 = %scan3A) -> (i32)  : i32 {
      %mul3A_29 = arith.constant 2 : i32
      %mul3A_30 = arith.muli %mul3A_29, %scan3A_27 : i32
      %gt3A = arith.constant 0 : i32
      %gt3A_31 = arith.cmpi sgt, %scan3A_27, %gt3A : i32
      %convert_element_type3A = arith.extui %gt3A_31 : i1 to i32
      %cond3A = arith.constant 0 : i32
      %cond3A_32 = arith.cmpi ne, %convert_element_type3A, %cond3A : i32
      scf.if %cond3A_32 {
        %sub3A = arith.constant 1 : i32
        %sub3A_91 = arith.subi %mul3A_30, %sub3A : i32
        %mul3A_92 = arith.constant 512 : i32
        %mul3A_93 = arith.muli %sub3A_91, %mul3A_92 : i32
        %add3A_94 = arith.addi %mul3A_2, %mul3A_93 : i32
        %multiple_of3A_95 = tpu.assume_multiple %add3A_94, 512 : i32
        %dma_wait3A_96 = arith.constant 0 : i32
        %dma_wait3A_97 = tpu.memref_slice %arg4[%multiple_of3A_95, %dma_wait3A_96] : memref<425984x16xf32, #tpu.memory_space<hbm>> -> memref<512x16xf32, #tpu.memory_space<hbm>>
        %dma_wait3A_98 = arith.constant 0 : i32
        %dma_wait3A_99 = tpu.memref_slice %arg4[%multiple_of3A_95, %dma_wait3A_98] : memref<425984x16xf32, #tpu.memory_space<hbm>> -> memref<512x16xf32, #tpu.memory_space<hbm>>
        tpu.wait_dma2 semaphore(%arg11 : memref<!tpu.dma_semaphore, #tpu.memory_space<semaphore_mem>>) src(%arg7 : memref<512x16xf32, #tpu.memory_space<vmem>>) dst(%dma_wait3A_99 : memref<512x16xf32, #tpu.memory_space<hbm>>)
      } else {
      }
      %add3A_33 = arith.constant 1 : i32
      %add3A_34 = arith.addi %mul3A_30, %add3A_33 : i32
      %dma_start3A_35 = arith.constant 0 : i32
      %dma_start3A_36 = tpu.memref_slice %arg5[%add3A_34, %dma_start3A_35] : memref<26x512xi32, #tpu.memory_space<vmem>> -> memref<1x512xi32, #tpu.memory_space<vmem>>
      %dma_start3A_37 = tpu.memref_squeeze %dma_start3A_36 : memref<1x512xi32, #tpu.memory_space<vmem>> -> memref<512xi32, #tpu.memory_space<vmem>>
      %dma_start3A_38 = arith.constant 0 : i32
      %dma_start3A_39 = arith.constant 0 : i32
      %dma_start3A_40 = tpu.memref_slice %arg3[%dma_start3A_38, %dma_start3A_39] : memref<2600000x16xf32, #tpu.memory_space<hbm>> -> memref<2600000x16xf32, #tpu.memory_space<hbm>>
      tpu.enqueue_indirect_dma source(%dma_start3A_40 : memref<2600000x16xf32, #tpu.memory_space<hbm>>) target(%arg7 : memref<512x16xf32, #tpu.memory_space<vmem>>) offsets(%dma_start3A_37 : memref<512xi32, #tpu.memory_space<vmem>>) semaphore(%arg9 : memref<!tpu.dma_semaphore, #tpu.memory_space<semaphore_mem>>)
      %dma_wait3A_41 = arith.constant 0 : i32
      %dma_wait3A_42 = tpu.memref_slice %arg5[%mul3A_30, %dma_wait3A_41] : memref<26x512xi32, #tpu.memory_space<vmem>> -> memref<1x512xi32, #tpu.memory_space<vmem>>
      %dma_wait3A_43 = tpu.memref_squeeze %dma_wait3A_42 : memref<1x512xi32, #tpu.memory_space<vmem>> -> memref<512xi32, #tpu.memory_space<vmem>>
      %dma_wait3A_44 = arith.constant 0 : i32
      %dma_wait3A_45 = arith.constant 0 : i32
      %dma_wait3A_46 = tpu.memref_slice %arg3[%dma_wait3A_44, %dma_wait3A_45] : memref<2600000x16xf32, #tpu.memory_space<hbm>> -> memref<2600000x16xf32, #tpu.memory_space<hbm>>
      tpu.wait_indirect_dma semaphore(%arg8 : memref<!tpu.dma_semaphore, #tpu.memory_space<semaphore_mem>>) src(%dma_wait3A_46 : memref<2600000x16xf32, #tpu.memory_space<hbm>>) dst(%arg6 : memref<512x16xf32, #tpu.memory_space<vmem>>)
      %mul3A_47 = arith.constant 512 : i32
      %mul3A_48 = arith.muli %mul3A_30, %mul3A_47 : i32
      %add3A_49 = arith.addi %mul3A_2, %mul3A_48 : i32
      %multiple_of3A_50 = tpu.assume_multiple %add3A_49, 512 : i32
      %dma_start3A_51 = arith.constant 0 : i32
      %dma_start3A_52 = tpu.memref_slice %arg4[%multiple_of3A_50, %dma_start3A_51] : memref<425984x16xf32, #tpu.memory_space<hbm>> -> memref<512x16xf32, #tpu.memory_space<hbm>>
      %dma_start3A_53 = arith.constant 0 : i32
      %dma_start3A_54 = tpu.memref_slice %arg4[%multiple_of3A_50, %dma_start3A_53] : memref<425984x16xf32, #tpu.memory_space<hbm>> -> memref<512x16xf32, #tpu.memory_space<hbm>>
      tpu.enqueue_dma source(%arg6 : memref<512x16xf32, #tpu.memory_space<vmem>>) target(%dma_start3A_54 : memref<512x16xf32, #tpu.memory_space<hbm>>) target_semaphore(%arg10 : memref<!tpu.dma_semaphore, #tpu.memory_space<semaphore_mem>>)
      %mul3A_55 = arith.constant 512 : i32
      %mul3A_56 = arith.muli %mul3A_30, %mul3A_55 : i32
      %add3A_57 = arith.addi %mul3A_2, %mul3A_56 : i32
      %multiple_of3A_58 = tpu.assume_multiple %add3A_57, 512 : i32
      %dma_wait3A_59 = arith.constant 0 : i32
      %dma_wait3A_60 = tpu.memref_slice %arg4[%multiple_of3A_58, %dma_wait3A_59] : memref<425984x16xf32, #tpu.memory_space<hbm>> -> memref<512x16xf32, #tpu.memory_space<hbm>>
      %dma_wait3A_61 = arith.constant 0 : i32
      %dma_wait3A_62 = tpu.memref_slice %arg4[%multiple_of3A_58, %dma_wait3A_61] : memref<425984x16xf32, #tpu.memory_space<hbm>> -> memref<512x16xf32, #tpu.memory_space<hbm>>
      tpu.wait_dma2 semaphore(%arg10 : memref<!tpu.dma_semaphore, #tpu.memory_space<semaphore_mem>>) src(%arg6 : memref<512x16xf32, #tpu.memory_space<vmem>>) dst(%dma_wait3A_62 : memref<512x16xf32, #tpu.memory_space<hbm>>)
      %add3A_63 = arith.constant 2 : i32
      %add3A_64 = arith.addi %mul3A_30, %add3A_63 : i32
      %min3A = arith.constant 25 : i32
      %min3A_65 = arith.minsi %add3A_64, %min3A : i32
      %dma_start3A_66 = arith.constant 0 : i32
      %dma_start3A_67 = tpu.memref_slice %arg5[%min3A_65, %dma_start3A_66] : memref<26x512xi32, #tpu.memory_space<vmem>> -> memref<1x512xi32, #tpu.memory_space<vmem>>
      %dma_start3A_68 = tpu.memref_squeeze %dma_start3A_67 : memref<1x512xi32, #tpu.memory_space<vmem>> -> memref<512xi32, #tpu.memory_space<vmem>>
      %dma_start3A_69 = arith.constant 0 : i32
      %dma_start3A_70 = arith.constant 0 : i32
      %dma_start3A_71 = tpu.memref_slice %arg3[%dma_start3A_69, %dma_start3A_70] : memref<2600000x16xf32, #tpu.memory_space<hbm>> -> memref<2600000x16xf32, #tpu.memory_space<hbm>>
      tpu.enqueue_indirect_dma source(%dma_start3A_71 : memref<2600000x16xf32, #tpu.memory_space<hbm>>) target(%arg6 : memref<512x16xf32, #tpu.memory_space<vmem>>) offsets(%dma_start3A_68 : memref<512xi32, #tpu.memory_space<vmem>>) semaphore(%arg8 : memref<!tpu.dma_semaphore, #tpu.memory_space<semaphore_mem>>)
      %add3A_72 = arith.constant 1 : i32
      %add3A_73 = arith.addi %mul3A_30, %add3A_72 : i32
      %dma_wait3A_74 = arith.constant 0 : i32
      %dma_wait3A_75 = tpu.memref_slice %arg5[%add3A_73, %dma_wait3A_74] : memref<26x512xi32, #tpu.memory_space<vmem>> -> memref<1x512xi32, #tpu.memory_space<vmem>>
      %dma_wait3A_76 = tpu.memref_squeeze %dma_wait3A_75 : memref<1x512xi32, #tpu.memory_space<vmem>> -> memref<512xi32, #tpu.memory_space<vmem>>
      %dma_wait3A_77 = arith.constant 0 : i32
      %dma_wait3A_78 = arith.constant 0 : i32
      %dma_wait3A_79 = tpu.memref_slice %arg3[%dma_wait3A_77, %dma_wait3A_78] : memref<2600000x16xf32, #tpu.memory_space<hbm>> -> memref<2600000x16xf32, #tpu.memory_space<hbm>>
      tpu.wait_indirect_dma semaphore(%arg9 : memref<!tpu.dma_semaphore, #tpu.memory_space<semaphore_mem>>) src(%dma_wait3A_79 : memref<2600000x16xf32, #tpu.memory_space<hbm>>) dst(%arg7 : memref<512x16xf32, #tpu.memory_space<vmem>>)
      %add3A_80 = arith.constant 1 : i32
      %add3A_81 = arith.addi %mul3A_30, %add3A_80 : i32
      %mul3A_82 = arith.constant 512 : i32
      %mul3A_83 = arith.muli %add3A_81, %mul3A_82 : i32
      %add3A_84 = arith.addi %mul3A_2, %mul3A_83 : i32
      %multiple_of3A_85 = tpu.assume_multiple %add3A_84, 512 : i32
      %dma_start3A_86 = arith.constant 0 : i32
      %dma_start3A_87 = tpu.memref_slice %arg4[%multiple_of3A_85, %dma_start3A_86] : memref<425984x16xf32, #tpu.memory_space<hbm>> -> memref<512x16xf32, #tpu.memory_space<hbm>>
      %dma_start3A_88 = arith.constant 0 : i32
      %dma_start3A_89 = tpu.memref_slice %arg4[%multiple_of3A_85, %dma_start3A_88] : memref<425984x16xf32, #tpu.memory_space<hbm>> -> memref<512x16xf32, #tpu.memory_space<hbm>>
      tpu.enqueue_dma source(%arg7 : memref<512x16xf32, #tpu.memory_space<vmem>>) target(%dma_start3A_89 : memref<512x16xf32, #tpu.memory_space<hbm>>) target_semaphore(%arg11 : memref<!tpu.dma_semaphore, #tpu.memory_space<semaphore_mem>>)
      %scan3A_90 = arith.constant 0 : i32
      scf.yield %scan3A_90 : i32
    }
    %scan3A_14 = arith.constant 13 : i32
    %dma_wait3A = arith.constant 25 : i32
    %dma_wait3A_15 = arith.constant 0 : i32
    %dma_wait3A_16 = tpu.memref_slice %arg5[%dma_wait3A, %dma_wait3A_15] : memref<26x512xi32, #tpu.memory_space<vmem>> -> memref<1x512xi32, #tpu.memory_space<vmem>>
    %dma_wait3A_17 = tpu.memref_squeeze %dma_wait3A_16 : memref<1x512xi32, #tpu.memory_space<vmem>> -> memref<512xi32, #tpu.memory_space<vmem>>
    %dma_wait3A_18 = arith.constant 0 : i32
    %dma_wait3A_19 = arith.constant 0 : i32
    %dma_wait3A_20 = tpu.memref_slice %arg3[%dma_wait3A_18, %dma_wait3A_19] : memref<2600000x16xf32, #tpu.memory_space<hbm>> -> memref<2600000x16xf32, #tpu.memory_space<hbm>>
    tpu.wait_indirect_dma semaphore(%arg8 : memref<!tpu.dma_semaphore, #tpu.memory_space<semaphore_mem>>) src(%dma_wait3A_20 : memref<2600000x16xf32, #tpu.memory_space<hbm>>) dst(%arg6 : memref<512x16xf32, #tpu.memory_space<vmem>>)
    %add3A_21 = arith.constant 12800 : i32
    %add3A_22 = arith.addi %mul3A_2, %add3A_21 : i32
    %multiple_of3A = tpu.assume_multiple %add3A_22, 512 : i32
    %dma_wait3A_23 = arith.constant 0 : i32
    %dma_wait3A_24 = tpu.memref_slice %arg4[%multiple_of3A, %dma_wait3A_23] : memref<425984x16xf32, #tpu.memory_space<hbm>> -> memref<512x16xf32, #tpu.memory_space<hbm>>
    %dma_wait3A_25 = arith.constant 0 : i32
    %dma_wait3A_26 = tpu.memref_slice %arg4[%multiple_of3A, %dma_wait3A_25] : memref<425984x16xf32, #tpu.memory_space<hbm>> -> memref<512x16xf32, #tpu.memory_space<hbm>>
    tpu.wait_dma2 semaphore(%arg11 : memref<!tpu.dma_semaphore, #tpu.memory_space<semaphore_mem>>) src(%arg7 : memref<512x16xf32, #tpu.memory_space<vmem>>) dst(%dma_wait3A_26 : memref<512x16xf32, #tpu.memory_space<hbm>>)
    return
  }
}

module attributes {stable_mosaic.version = 14 : i64} {
  func.func @_mlp_body(%arg0: i32, %arg1: memref<2048x416xf32, #tpu.memory_space<vmem>>, %arg2: memref<2048x13xf32, #tpu.memory_space<vmem>>, %arg3: memref<416x64xf32, #tpu.memory_space<vmem>>, %arg4: memref<13x64xf32, #tpu.memory_space<vmem>>, %arg5: memref<1x64xf32, #tpu.memory_space<vmem>>, %arg6: memref<64x32xf32, #tpu.memory_space<vmem>>, %arg7: memref<1x32xf32, #tpu.memory_space<vmem>>, %arg8: memref<32x1xf32, #tpu.memory_space<vmem>>, %arg9: memref<1x1xf32, #tpu.memory_space<vmem>>, %arg10: memref<13x1xf32, #tpu.memory_space<vmem>>, %arg11: memref<1x1xf32, #tpu.memory_space<vmem>>, %arg12: memref<1x2xf32, #tpu.memory_space<vmem>>, %arg13: memref<2048x1xf32, #tpu.memory_space<vmem>>, %arg14: memref<2048x1xf32, #tpu.memory_space<vmem>>) attributes {dimension_semantics = [#tpu.dimension_semantics<arbitrary>], iteration_bounds = array<i64: 8>, scalar_prefetch = 0 : i64, scratch_operands = 0 : i64, tpu.core_type = #tpu.core_type<tc>, window_params = [{transform_indices = @transform_0, window_bounds = array<i64: 2048, 416>}, {transform_indices = @transform_1, window_bounds = array<i64: 2048, 13>}, {pipeline_mode = #tpu.pipeline_mode<synchronous>, transform_indices = @transform_2, window_bounds = array<i64: 416, 64>}, {pipeline_mode = #tpu.pipeline_mode<synchronous>, transform_indices = @transform_3, window_bounds = array<i64: 13, 64>}, {pipeline_mode = #tpu.pipeline_mode<synchronous>, transform_indices = @transform_4, window_bounds = array<i64: 1, 64>}, {pipeline_mode = #tpu.pipeline_mode<synchronous>, transform_indices = @transform_5, window_bounds = array<i64: 64, 32>}, {pipeline_mode = #tpu.pipeline_mode<synchronous>, transform_indices = @transform_6, window_bounds = array<i64: 1, 32>}, {pipeline_mode = #tpu.pipeline_mode<synchronous>, transform_indices = @transform_7, window_bounds = array<i64: 32, 1>}, {pipeline_mode = #tpu.pipeline_mode<synchronous>, transform_indices = @transform_8, window_bounds = array<i64: 1, 1>}, {pipeline_mode = #tpu.pipeline_mode<synchronous>, transform_indices = @transform_9, window_bounds = array<i64: 13, 1>}, {pipeline_mode = #tpu.pipeline_mode<synchronous>, transform_indices = @transform_10, window_bounds = array<i64: 1, 1>}, {pipeline_mode = #tpu.pipeline_mode<synchronous>, transform_indices = @transform_11, window_bounds = array<i64: 1, 2>}, {transform_indices = @transform_12, window_bounds = array<i64: 2048, 1>}, {transform_indices = @transform_13, window_bounds = array<i64: 2048, 1>}]} {
    %get3A = arith.constant 0 : index
    %get3A_0 = arith.constant 0 : index
    %get3A_1 = vector.load %arg2[%get3A, %get3A_0] : memref<2048x13xf32, #tpu.memory_space<vmem>>, vector<2048x13xf32>
    %get3A_2 = arith.constant 0 : index
    %get3A_3 = arith.constant 0 : index
    %get3A_4 = vector.load %arg1[%get3A_2, %get3A_3] : memref<2048x416xf32, #tpu.memory_space<vmem>>, vector<2048x416xf32>
    %get3A_5 = arith.constant 0 : index
    %get3A_6 = arith.constant 0 : index
    %get3A_7 = vector.load %arg3[%get3A_5, %get3A_6] : memref<416x64xf32, #tpu.memory_space<vmem>>, vector<416x64xf32>
    %dot_general3A = arith.constant dense<0.000000e+00> : vector<2048x64xf32>
    %dot_general3A_8 = tpu.matmul %get3A_4, %get3A_7, %dot_general3A {dimension_numbers = #tpu.dot_dimension_numbers<[1], [0], [0], [1], [0, 0, 1, 1], [], []>, transpose_lhs_hint = false} : vector<2048x416xf32>, vector<416x64xf32>, vector<2048x64xf32> -> vector<2048x64xf32>
    %get3A_9 = arith.constant 0 : index
    %get3A_10 = arith.constant 0 : index
    %get3A_11 = vector.load %arg4[%get3A_9, %get3A_10] : memref<13x64xf32, #tpu.memory_space<vmem>>, vector<13x64xf32>
    %dot_general3A_12 = arith.constant dense<0.000000e+00> : vector<2048x64xf32>
    %dot_general3A_13 = tpu.matmul %get3A_1, %get3A_11, %dot_general3A_12 {dimension_numbers = #tpu.dot_dimension_numbers<[1], [0], [0], [1], [0, 0, 1, 1], [], []>, transpose_lhs_hint = false} : vector<2048x13xf32>, vector<13x64xf32>, vector<2048x64xf32> -> vector<2048x64xf32>
    %add3A = arith.addf %dot_general3A_8, %dot_general3A_13 : vector<2048x64xf32>
    %get3A_14 = arith.constant 0 : index
    %get3A_15 = arith.constant 0 : index
    %get3A_16 = vector.load %arg5[%get3A_14, %get3A_15] : memref<1x64xf32, #tpu.memory_space<vmem>>, vector<1x64xf32>
    %add3A_17 = vector.broadcast %get3A_16 : vector<1x64xf32> to vector<2048x64xf32>
    %add3A_18 = arith.addf %add3A, %add3A_17 : vector<2048x64xf32>
    %max3A = arith.constant 0.000000e+00 : f32
    %max3A_19 = vector.broadcast %max3A : f32 to vector<2048x64xf32>
    %max3A_20 = arith.maximumf %add3A_18, %max3A_19 : vector<2048x64xf32>
    %get3A_21 = arith.constant 0 : index
    %get3A_22 = arith.constant 0 : index
    %get3A_23 = vector.load %arg6[%get3A_21, %get3A_22] : memref<64x32xf32, #tpu.memory_space<vmem>>, vector<64x32xf32>
    %dot_general3A_24 = arith.constant dense<0.000000e+00> : vector<2048x32xf32>
    %dot_general3A_25 = tpu.matmul %max3A_20, %get3A_23, %dot_general3A_24 {dimension_numbers = #tpu.dot_dimension_numbers<[1], [0], [0], [1], [0, 0, 1, 1], [], []>, transpose_lhs_hint = false} : vector<2048x64xf32>, vector<64x32xf32>, vector<2048x32xf32> -> vector<2048x32xf32>
    %get3A_26 = arith.constant 0 : index
    %get3A_27 = arith.constant 0 : index
    %get3A_28 = vector.load %arg7[%get3A_26, %get3A_27] : memref<1x32xf32, #tpu.memory_space<vmem>>, vector<1x32xf32>
    %add3A_29 = vector.broadcast %get3A_28 : vector<1x32xf32> to vector<2048x32xf32>
    %add3A_30 = arith.addf %dot_general3A_25, %add3A_29 : vector<2048x32xf32>
    %max3A_31 = arith.constant 0.000000e+00 : f32
    %max3A_32 = vector.broadcast %max3A_31 : f32 to vector<2048x32xf32>
    %max3A_33 = arith.maximumf %add3A_30, %max3A_32 : vector<2048x32xf32>
    %get3A_34 = arith.constant 0 : index
    %get3A_35 = arith.constant 0 : index
    %get3A_36 = vector.load %arg8[%get3A_34, %get3A_35] : memref<32x1xf32, #tpu.memory_space<vmem>>, vector<32x1xf32>
    %dot_general3A_37 = arith.constant dense<0.000000e+00> : vector<2048x1xf32>
    %dot_general3A_38 = tpu.matmul %max3A_33, %get3A_36, %dot_general3A_37 {dimension_numbers = #tpu.dot_dimension_numbers<[1], [0], [0], [1], [0, 0, 1, 1], [], []>, transpose_lhs_hint = false} : vector<2048x32xf32>, vector<32x1xf32>, vector<2048x1xf32> -> vector<2048x1xf32>
    %get3A_39 = arith.constant 0 : index
    %get3A_40 = arith.constant 0 : index
    %get3A_41 = vector.load %arg9[%get3A_39, %get3A_40] : memref<1x1xf32, #tpu.memory_space<vmem>>, vector<1x1xf32>
    %add3A_42 = vector.broadcast %get3A_41 : vector<1x1xf32> to vector<2048x1xf32>
    %add3A_43 = arith.addf %dot_general3A_38, %add3A_42 : vector<2048x1xf32>
    %get3A_44 = arith.constant 0 : index
    %get3A_45 = arith.constant 0 : index
    %get3A_46 = vector.load %arg10[%get3A_44, %get3A_45] : memref<13x1xf32, #tpu.memory_space<vmem>>, vector<13x1xf32>
    %dot_general3A_47 = arith.constant dense<0.000000e+00> : vector<2048x1xf32>
    %dot_general3A_48 = tpu.matmul %get3A_1, %get3A_46, %dot_general3A_47 {dimension_numbers = #tpu.dot_dimension_numbers<[1], [0], [0], [1], [0, 0, 1, 1], [], []>, transpose_lhs_hint = false} : vector<2048x13xf32>, vector<13x1xf32>, vector<2048x1xf32> -> vector<2048x1xf32>
    %get3A_49 = arith.constant 0 : index
    %get3A_50 = arith.constant 0 : index
    %get3A_51 = vector.load %arg11[%get3A_49, %get3A_50] : memref<1x1xf32, #tpu.memory_space<vmem>>, vector<1x1xf32>
    %add3A_52 = vector.broadcast %get3A_51 : vector<1x1xf32> to vector<2048x1xf32>
    %add3A_53 = arith.addf %dot_general3A_48, %add3A_52 : vector<2048x1xf32>
    %get3A_54 = arith.constant 0 : index
    %get3A_55 = arith.constant 0 : index
    %get3A_56 = vector.load %arg12[%get3A_54, %get3A_55] : memref<1x2xf32, #tpu.memory_space<vmem>>, vector<1x2xf32>
    %get3A_57 = arith.constant 0 : index
    %get3A_58 = arith.constant 0 : index
    %get3A_59 = vector.load %arg12[%get3A_57, %get3A_58] : memref<1x2xf32, #tpu.memory_space<vmem>>, vector<1x2xf32>
    %reduce_max3A = vector.shape_cast %get3A_59 : vector<1x2xf32> to vector<1x1x2xf32>
    %reduce_max3A_60 = arith.constant dense<0xFF800000> : vector<1xf32>
    %reduce_max3A_61 = vector.multi_reduction <maximumf>, %reduce_max3A, %reduce_max3A_60 [1, 2] : vector<1x1x2xf32> to vector<1xf32>
    %reduce_max3A_62 = vector.shape_cast %reduce_max3A_61 : vector<1xf32> to vector<1x1x1xf32>
    %reduce_max3A_63 = vector.extract %reduce_max3A_62[0, 0, 0] : f32 from vector<1x1x1xf32>
    %sub3A = vector.broadcast %reduce_max3A_63 : f32 to vector<1x2xf32>
    %sub3A_64 = arith.subf %get3A_56, %sub3A : vector<1x2xf32>
    %exp3A = math.exp %sub3A_64 : vector<1x2xf32>
    %reduce_sum3A = vector.shape_cast %exp3A : vector<1x2xf32> to vector<1x1x2xf32>
    %reduce_sum3A_65 = arith.constant dense<0.000000e+00> : vector<1xf32>
    %reduce_sum3A_66 = vector.multi_reduction <add>, %reduce_sum3A, %reduce_sum3A_65 [1, 2] : vector<1x1x2xf32> to vector<1xf32>
    %reduce_sum3A_67 = vector.shape_cast %reduce_sum3A_66 : vector<1xf32> to vector<1x1x1xf32>
    %reduce_sum3A_68 = vector.extract %reduce_sum3A_67[0, 0, 0] : f32 from vector<1x1x1xf32>
    %div3A = vector.broadcast %reduce_sum3A_68 : f32 to vector<1x2xf32>
    %div3A_69 = arith.divf %exp3A, %div3A : vector<1x2xf32>
    %slice3A = vector.extract_strided_slice %div3A_69 {offsets = [0, 0], sizes = [1, 1], strides = [1, 1]} : vector<1x2xf32> to vector<1x1xf32>
    %mul3A = vector.broadcast %slice3A : vector<1x1xf32> to vector<2048x1xf32>
    %mul3A_70 = arith.mulf %add3A_53, %mul3A : vector<2048x1xf32>
    %slice3A_71 = vector.extract_strided_slice %div3A_69 {offsets = [0, 1], sizes = [1, 1], strides = [1, 1]} : vector<1x2xf32> to vector<1x1xf32>
    %mul3A_72 = vector.broadcast %slice3A_71 : vector<1x1xf32> to vector<2048x1xf32>
    %mul3A_73 = arith.mulf %add3A_43, %mul3A_72 : vector<2048x1xf32>
    %add3A_74 = arith.addf %mul3A_70, %mul3A_73 : vector<2048x1xf32>
    %swap3A = arith.constant 0 : index
    %swap3A_75 = arith.constant 0 : index
    %swap3A_76 = vector.load %arg13[%swap3A, %swap3A_75] : memref<2048x1xf32, #tpu.memory_space<vmem>>, vector<2048x1xf32>
    tpu.vector_store %arg13[%swap3A, %swap3A_75], %add3A_74 {strides = array<i32>} : memref<2048x1xf32, #tpu.memory_space<vmem>>, vector<2048x1xf32>,
    %neg3A = arith.constant 0.000000e+00 : f32
    %neg3A_77 = vector.broadcast %neg3A : f32 to vector<2048x1xf32>
    %neg3A_78 = arith.subf %neg3A_77, %add3A_74 : vector<2048x1xf32>
    %exp3A_79 = math.exp %neg3A_78 : vector<2048x1xf32>
    %add3A_80 = arith.constant 1.000000e+00 : f32
    %add3A_81 = vector.broadcast %add3A_80 : f32 to vector<2048x1xf32>
    %add3A_82 = arith.addf %add3A_81, %exp3A_79 : vector<2048x1xf32>
    %div3A_83 = arith.constant 1.000000e+00 : f32
    %div3A_84 = vector.broadcast %div3A_83 : f32 to vector<2048x1xf32>
    %div3A_85 = arith.divf %div3A_84, %add3A_82 : vector<2048x1xf32>
    %swap3A_86 = arith.constant 0 : index
    %swap3A_87 = arith.constant 0 : index
    %swap3A_88 = vector.load %arg14[%swap3A_86, %swap3A_87] : memref<2048x1xf32, #tpu.memory_space<vmem>>, vector<2048x1xf32>
    tpu.vector_store %arg14[%swap3A_86, %swap3A_87], %div3A_85 {strides = array<i32>} : memref<2048x1xf32, #tpu.memory_space<vmem>>, vector<2048x1xf32>,
    return
  }
  func.func @transform_0(%arg0: i32) -> (i32, i32) {
    %c0_i32 = arith.constant 0 : i32
    %c0_i32_0 = arith.constant 0 : i32
    return %arg0, %c0_i32 : i32, i32
  }
  func.func @transform_1(%arg0: i32) -> (i32, i32) {
    %c0_i32 = arith.constant 0 : i32
    %c0_i32_0 = arith.constant 0 : i32
    return %arg0, %c0_i32 : i32, i32
  }
  func.func @transform_2(%arg0: i32) -> (i32, i32) {
    %c0_i32 = arith.constant 0 : i32
    %c0_i32_0 = arith.constant 0 : i32
    %c0_i32_1 = arith.constant 0 : i32
    return %c0_i32, %c0_i32_0 : i32, i32
  }
  func.func @transform_3(%arg0: i32) -> (i32, i32) {
    %c0_i32 = arith.constant 0 : i32
    %c0_i32_0 = arith.constant 0 : i32
    %c0_i32_1 = arith.constant 0 : i32
    return %c0_i32, %c0_i32_0 : i32, i32
  }
  func.func @transform_4(%arg0: i32) -> (i32, i32) {
    %c0_i32 = arith.constant 0 : i32
    %c0_i32_0 = arith.constant 0 : i32
    %c0_i32_1 = arith.constant 0 : i32
    return %c0_i32, %c0_i32_0 : i32, i32
  }
  func.func @transform_5(%arg0: i32) -> (i32, i32) {
    %c0_i32 = arith.constant 0 : i32
    %c0_i32_0 = arith.constant 0 : i32
    %c0_i32_1 = arith.constant 0 : i32
    return %c0_i32, %c0_i32_0 : i32, i32
  }
  func.func @transform_6(%arg0: i32) -> (i32, i32) {
    %c0_i32 = arith.constant 0 : i32
    %c0_i32_0 = arith.constant 0 : i32
    %c0_i32_1 = arith.constant 0 : i32
    return %c0_i32, %c0_i32_0 : i32, i32
  }
  func.func @transform_7(%arg0: i32) -> (i32, i32) {
    %c0_i32 = arith.constant 0 : i32
    %c0_i32_0 = arith.constant 0 : i32
    %c0_i32_1 = arith.constant 0 : i32
    return %c0_i32, %c0_i32_0 : i32, i32
  }
  func.func @transform_8(%arg0: i32) -> (i32, i32) {
    %c0_i32 = arith.constant 0 : i32
    %c0_i32_0 = arith.constant 0 : i32
    %c0_i32_1 = arith.constant 0 : i32
    return %c0_i32, %c0_i32_0 : i32, i32
  }
  func.func @transform_9(%arg0: i32) -> (i32, i32) {
    %c0_i32 = arith.constant 0 : i32
    %c0_i32_0 = arith.constant 0 : i32
    %c0_i32_1 = arith.constant 0 : i32
    return %c0_i32, %c0_i32_0 : i32, i32
  }
  func.func @transform_10(%arg0: i32) -> (i32, i32) {
    %c0_i32 = arith.constant 0 : i32
    %c0_i32_0 = arith.constant 0 : i32
    %c0_i32_1 = arith.constant 0 : i32
    return %c0_i32, %c0_i32_0 : i32, i32
  }
  func.func @transform_11(%arg0: i32) -> (i32, i32) {
    %c0_i32 = arith.constant 0 : i32
    %c0_i32_0 = arith.constant 0 : i32
    %c0_i32_1 = arith.constant 0 : i32
    return %c0_i32, %c0_i32_0 : i32, i32
  }
  func.func @transform_12(%arg0: i32) -> (i32, i32) {
    %c0_i32 = arith.constant 0 : i32
    %c0_i32_0 = arith.constant 0 : i32
    return %arg0, %c0_i32 : i32, i32
  }
  func.func @transform_13(%arg0: i32) -> (i32, i32) {
    %c0_i32 = arith.constant 0 : i32
    %c0_i32_0 = arith.constant 0 : i32
    return %arg0, %c0_i32 : i32, i32
  }
}

</mosaic_0001>

<sc_bundles>
// kernel: kernel.4.cloned.1.call-start
scs
__scs_entry_jumppad:
0x0: {  	(pc) =	sbr.rel $0x88, $3  }
0x1: {  	(tag) =	ssettag $0x0;
	lr =	simm.s32 $0x1  }
0x2: {  	[smem:$0x3F95] =	sst lr;
	_ =	strace $0xD0000000  }
0x3: {  	_ = 	snop  }
0x4: {  	_ = 	snop  }
0x5: {  	_ = 	snop  }
0x6: {  	_ = 	snop  }
0x7: {  	_ = 	snop  }
__scs_overlays_trampoline_lowered:
0x8: {  	[smem:$0x3FA4] =	sst s0  }
0x9: {  	[smem:$0x3FA5] =	sst s1  }
0xa: {  	[smem:$0x3FA6] =	sst s2  }
0xb: {  	[smem:$0x3FA7] =	sst s3  }
0xc: {  	[smem:$0x3FA8] =	sst s4  }
0xd: {  	[smem:$0x3FA9] =	sst s5  }
0xe: {  	[smem:$0x3FAA] =	sst s6  }
0xf: {  	[smem:$0x3FAB] =	sst s7  }
0x10: {  	[smem:$0x3FAC] =	sst s8  }
0x11: {  	[smem:$0x3FAD] =	sst s9;
	s0 =	simm.s32 @!p0 $0x0  }
0x12: {  	s1 =	sld [smem:$0x3F93];
	s0 =	simm.s32 @p0 $0x1  }
0x13: {  	[smem:$0x3FAE] =	sst s0;
	s0 =	simm.s32 @!p1 $0x0  }
0x14: {  	s2 =	sld [smem:$0x3F92];
	s0 =	simm.s32 @p1 $0x1  }
0x15: {  	[smem:$0x3FAF] =	sst s0;
	s0 =	simm.s32 @!p2 $0x0  }
0x16: {  	s3 =	sld [smem:$0x3FDB];
	s0 =	simm.s32 @p2 $0x1  }
0x17: {  	s4 =	simm.s32 $0x1BF5;
	[smem:$0x3FB1] =	sst s0  }
0x18: {  	s0 =	sld [smem:$0x3F94];
	_ =	swait.ge [sflag:s4], $0x0  }
0x19: {  	s7 =	sld [smem:$0x3F95]  }
0x1a: {  	s8 =	sadd.s32 $0xFFFFE003, lr  }
0x1b: {  	s9 =	sadd.s32 $0xFFFFFEF7, lr;
	s5 =	simm.s32 $0xFFFFFFFF;
	p2 =	slt.u32 s8, $0xFFFFF086  }
0x1c: {  	p1 =	slt.u32 s9, $0xF7A;
	s5 =	simm.s32 @!p2 $0x0  }
0x1d: {  	s5 =	simm.s32 @p1 $0x1;
	p0 =	seq.s32 s7, s2  }
0x1e: {  	s7 =	smul.u32 @!p0 $0xF7A, s2;
	p2 =	seq.s32 @!p0 s5, $0x0  }
0x1f: {  	s9 =	smul.u32 $0xF7A, s1;
	s8 =	simm.s32 @!p0 $0x1BF5;
	p2 =	por !p2, p0  }
0x20: {  	[sflag:s8] =	ssyncset.s32 @!p0 $0xFFFFF086;
	s6 =	sadd.s32 @!p0 s3, s7;
	s7 =	simm.s32 @!p0 $0x108  }
0x21: {  	s3 =	sadd.s32 s3, s9;
	s6 =	sadd.s32 @!p0 $0x88, s6;
	s7 =	simm.s32 @p2 $0x1082  }
0x22: {  	[simem:s7], [sflag:s8] =	dma.local @!p0 [hbm:s6], $0xF7A  }
0x23: {  	s9 =	sor.u32 $0xD0000000, s2;
	s6 =	simm.s32 $0x108;
	_ =	swait.ge @!p0 [sflag:s8], $0x0  }
0x24: {  	s3 =	sadd.s32 $0x88, s3;
	s6 =	simm.s32 @!p1 $0x1082;
	[sflag:s4] =	ssyncset.s32 $0xFFFFF086  }
0x25: {  	[simem:s6], [sflag:s4] =	dma.local [hbm:s3], $0xF7A  }
0x26: {  	[smem:$0x3F95] =	sst s1;
	(tag) =	ssettag s2;
	_ =	strace s9  }
0x27: {  	s1 =	sld [smem:$0x3FA5]  }
0x28: {  	s2 =	sld [smem:$0x3FA6]  }
0x29: {  	s4 =	sld [smem:$0x3FA8]  }
0x2a: {  	p0 =	seq.s32 s5, $0x0;
	s5 =	sld [smem:$0x3FA9]  }
0x2b: {  	s6 =	sld [smem:$0x3FAA]  }
0x2c: {  	s7 =	sld [smem:$0x3FAB]  }
0x2d: {  	s3 =	simm.s32 $0x108;
	s8 =	sld [smem:$0x3FAC]  }
0x2e: {  	s3 =	simm.s32 @!p0 $0x1082;
	s9 =	sld [smem:$0x3FAD]  }
0x2f: {  	lr =	sadd.s32 s0, s3;
	s0 =	sld [smem:$0x3FA4]  }
0x30: {  	s3 =	sld [smem:$0x3FA7]  }
0x31: {  	[smem:$0x3FB0] =	sst s10  }
0x32: {  	s10 =	sld [smem:$0x3FAE];
	_ =	sdelay $0x3  }
0x33: {  	p0 =	seq.s32 s10, $0x1;
	s10 =	sld [smem:$0x3FB0];
	_ =	sdelay $0x3  }
0x34: {  	[smem:$0x3FB0] =	sst s10  }
0x35: {  	s10 =	sld [smem:$0x3FAF];
	_ =	sdelay $0x3  }
0x36: {  	p1 =	seq.s32 s10, $0x1;
	s10 =	sld [smem:$0x3FB0];
	_ =	sdelay $0x3  }
0x37: {  	[smem:$0x3FB0] =	sst s10  }
0x38: {  	s10 =	sld [smem:$0x3FB1]  }
0x39: {  	_ = 	snop;
	(pc) =	sbr.ind lr, $3  }
0x3a: {  	_ = 	snop  }
0x3b: {  	_ = 	snop  }
0x3c: {  	p2 =	seq.s32 s10, $0x1;
	s10 =	sld [smem:$0x3FB0]  }
0x3d: {  	_ =	shalt  }
0x3e: {  	_ =	shalt  }
0x3f: {  	_ =	shalt  }
0x40: {  	_ =	shalt  }
0x41: {  	_ =	shalt  }
0x42: {  	_ =	shalt  }
0x43: {  	_ =	shalt  }
0x44: {  	_ =	shalt  }
0x45: {  	_ =	shalt  }
0x46: {  	_ =	shalt  }
0x47: {  	_ =	shalt  }
0x48: {  	_ =	shalt  }
0x49: {  	_ =	shalt  }
0x4a: {  	_ =	shalt  }
0x4b: {  	_ =	shalt  }
0x4c: {  	_ =	shalt  }
0x4d: {  	_ =	shalt  }
0x4e: {  	_ =	shalt  }
0x4f: {  	_ =	shalt  }
0x50: {  	_ =	shalt  }
0x51: {  	_ =	shalt  }
0x52: {  	_ =	shalt  }
0x53: {  	_ =	shalt  }
0x54: {  	_ =	shalt  }
0x55: {  	_ =	shalt  }
0x56: {  	_ =	shalt  }
0x57: {  	_ =	shalt  }
0x58: {  	_ =	shalt  }
0x59: {  	_ =	shalt  }
0x5a: {  	_ =	shalt  }
0x5b: {  	_ =	shalt  }
0x5c: {  	_ =	shalt  }
0x5d: {  	_ =	shalt  }
0x5e: {  	_ =	shalt  }
0x5f: {  	_ =	shalt  }
0x60: {  	_ =	shalt  }
0x61: {  	_ =	shalt  }
0x62: {  	_ =	shalt  }
0x63: {  	_ =	shalt  }
0x64: {  	_ =	shalt  }
0x65: {  	_ =	shalt  }
0x66: {  	_ =	shalt  }
0x67: {  	_ =	shalt  }
0x68: {  	_ =	shalt  }
0x69: {  	_ =	shalt  }
0x6a: {  	_ =	shalt  }
0x6b: {  	_ =	shalt  }
0x6c: {  	_ =	shalt  }
0x6d: {  	_ =	shalt  }
0x6e: {  	_ =	shalt  }
0x6f: {  	_ =	shalt  }
0x70: {  	_ =	shalt  }
0x71: {  	_ =	shalt  }
0x72: {  	_ =	shalt  }
0x73: {  	_ =	shalt  }
0x74: {  	_ =	shalt  }
0x75: {  	_ =	shalt  }
0x76: {  	_ =	shalt  }
0x77: {  	_ =	shalt  }
0x78: {  	_ =	shalt  }
0x79: {  	_ =	shalt  }
0x7a: {  	_ =	shalt  }
0x7b: {  	_ =	shalt  }
0x7c: {  	_ =	shalt  }
0x7d: {  	_ =	shalt  }
0x7e: {  	_ =	shalt  }
0x7f: {  	_ =	shalt  }
0x80: {  	_ =	shalt  }
0x81: {  	_ =	shalt  }
0x82: {  	_ =	shalt  }
0x83: {  	_ =	shalt  }
0x84: {  	_ =	shalt  }
0x85: {  	_ =	shalt  }
0x86: {  	_ =	shalt  }
0x87: {  	_ =	shalt  }
.Lfunc_end0:
.L_simem_size_0:
called_computation_lowered:
.L_overlay_start_0:
0x88: {  	s2 =	sld [smem:$0x3FD9]  }
0x89: {  	s3 =	sld [smem:$0x3FFE];
	_ =	sdelay $0x1  }
0x8a: {  	s1 =	srdreg.scid  }
0x8b: {  	s0 =	sand.u32 $0x1, s1  }
0x8c: {  	s16 =	sshll.u32 s0, $0xA;
	s2 =	sadd.s32 s3, s2  }
0x8d: {  	s2 =	sadd.s32 s2, s16  }
0x8e: {  	[smem:$0x3FBC] =	sst s2  }
0x8f: {  	_ = 	snop  }
0x90: {  	(tm) =	ssettm $0x1  }
0x91: {  	s17 =	sld [smem:$0x3FFB];
	_ =	sdelay $0x3  }
0x92: {  	_ =	strace s17  }
0x93: {  	s2 =	sld [smem:$0x3FFC];
	_ =	sdelay $0x3  }
0x94: {  	_ =	strace s2  }
0x95: {  	s2 =	sld [smem:$0x3FFD];
	_ =	sdelay $0x3  }
0x96: {  	_ =	strace s2  }
0x97: {  	_ =	strace $0x8FFFFFFF  }
0x98: {  	s18 =	sld [smem:$0x3FDB];
	_ =	sdelay $0x1  }
0x99: {  	s19 =	simm.s32 $_scs_section_size  }
0x9a: {  	s4 =	simm.s32 $_size__tile_overlayer_lowered;
	s5 =	simm.s32 $_tile_overlayer_lowered  }
0x9b: {  	s22 =	simm.s32 $0x1BFF;
	s21 =	sshll.u32 s5, $0x1;
	s2 =	sadd.s32 s19, s18  }
0x9c: {  	s6 =	simm.s32 $0x0;
	s20 =	sshll.u32 s4, $0x1;
	s4 =	sadd.s32 s21, s2  }
0x9d: {  	[timem:s6], [sflag:s22] =	dma.local [hbm:s4], s20  }
0x9e: {  	_ =	swait.ge [sflag:s22], s20  }
0x9f: {  	s3 =	ssub.s32 $0x0, s20;
	[sflag:s22] =	ssyncset.done $0x0  }
0xa0: {  	[sflag:s22] =	ssyncadd.s32 s3;
	_ =	sdelay $0x1  }
0xa1: {  	s23 =	simm.s32 $0x1B8B  }
0xa2: {  	_ =	swait.ge [sflag:s23], $0x1  }
0xa3: {  	[sflag:s23] =	ssyncset.done $0x0  }
0xa4: {  	s25 =	simm.s32 $0x1B8E;
	s24 =	sld [smem:$0x3FFE];
	[sflag:s23] =	ssyncadd.s32 $0xFFFFFFFF  }
0xa5: {  	s26 =	simm.s32 $execute0_lowered;
	[smem:$0x3FD2] =	sst s25  }
0xa6: {  	s4 =	sshll.u32 s26, $0x1;
	_ =	strace $0x80000046;
	[dreg:$0x1] =	wrdreg $0xFFFFFFFF  }
0xa7: {  	s28 =	simm.s32 $_size_execute0_lowered;
	s2 =	sadd.s32 s2, s4;
	[dreg:$0x0] =	wrdreg $0x0  }
0xa8: {  	s4 =	sshll.u32 s28, $0x1;
	[dreg:$0x2] =	wrdreg s2  }
0xa9: {  	[dreg:$0x3] =	wrdreg s4  }
0xaa: {  	[dreg:$0x4] =	wrdreg $0xC0  }
0xab: {  	_ =	task [dreg:s6], $0x5FFFF  }
0xac: {  	[dreg:$0x1] =	wrdreg $0xFFFFFFFF  }
0xad: {  	[dreg:$0x0] =	wrdreg $0x60  }
0xae: {  	[dreg:$0x2] =	wrdreg s24  }
0xaf: {  	[dreg:$0x3] =	wrdreg $0x9  }
0xb0: {  	_ =	task.clear_ibuf [dreg:s6], $0x4FFFF;
	_ =	strace $0x90000046  }
0xb1: {  	s29 =	simm.s32 $0x9;
	_ =	strace $0x80000048  }
0xb2: {  	_ =	swait.ge [sflag:s29], $0x1  }
0xb3: {  	[sflag:s29] =	ssyncadd.s32 $0xFFFFFFFF  }
0xb4: {  	_ =	strace $0x90000048  }
0xb5: {  	_ =	sfence  }
0xb6: {  	s30 =	sld [smem:$0x0];
	_ =	sdelay $0x2  }
0xb7: {  	s31 =	sshll.u32 s1, $0xD;
	s1 =	sshrl.u32 s1, $0x2  }
0xb8: {  	s3 =	sand.u32 $0x4000, s31;
	s1 =	sadd.s32 s1, s30  }
0xb9: {  	s0 =	sor.u32 s3, s0;
	s1 =	sshll.u32 s1, $0x11  }
0xba: {  	s0 =	sor.u32 s1, s0  }
0xbb: {  	s0 =	sadd.s32 $0x8F2B, s0  }
0xbc: {  	[sflag:s0] =	ssyncadd.remote.s32 $0x1  }
0xbd: {  	_ =	sfence.sel $0xFFFF  }
0xbe: {  	[dreg:$0x0] =	wrdreg $0xFFFFFFFF;
	(pc) =	sbr.abs _section_cstart, $3  }
0xbf: {  	[dreg:$0x1] =	wrdreg $0xFFFFFFFF  }
0xc0: {  	_ =	task.clear_ibuf [dreg:s6], $0x2FFFF;
	_ =	strace $0x9FFFFFFF  }
0xc1: {  	(tm) =	ssettm $0x7FFFFFFF  }
tec
execute0_lowered:
.L_overlay_start_1:
0x0: {  	(tag) =	ssettag $0x1  }
0x1: {  	s1 =	srdreg.scid  }
0x2: {  	s0 =	stileid.u32;
	s4 =	rddreg [dreg:$0x0];
	s2 =	simm.s32 $0x0  }
0x3: {  	s15 =	simm.s32 $0x3400;
	s16 =	simm.s32 $0x5400;
	s17 =	simm.s32 $0x1  }
0x4: {  	s18 =	simm.s32 $0x3;
	s19 =	simm.s32 $0x400;
	s11 =	smul.u32 $0x68000, s0  }
0x5: {  	s20 =	simm.s32 $0x2;
	s7 =	sand.u32 $0x1, s1;
	s31 =	smul.u32 $0x6800, s0  }
0x6: {  	s21 =	simm.s32 $0x4;
	s30 =	sshll.u32 s0, $0x1;
	s12 =	smul.u32 $0x3400, s7  }
0x7: {  	s22 =	simm.s32 $0x3200;
	s3 =	sor.u32 s7, s30;
	s14 =	smul.u32 $0x34000, s7  }
0x8: {  	s23 =	simm.s32 $0x0;
	s1 =	rddreg [dreg:$0x1];
	s5 =	smul.u32 $0x3400, s3  }
0x9: {  	[smem:$0x7FF] =	sst s2;
	s6 =	ssub.s32 $0x2, s7;
	s8 =	smul.u32 $0x34000, s3  }
0xa: {  	_ =	strace $0x80000047;
	s9 =	smul.u32 $0x6800, s3;
	s10 =	sshrl.u32 s6, $0x1  }
0xb: {  	s3 =	sadd.s32 $0x27ADE00, s4;
	s6 =	ssub.s32 s6, s10;
	s10 =	sadd.s32 s12, s31  }
0xc: {  	s11 =	sadd.s32 s14, s11;
	s14 =	simm.s32 $0x200;
	s5 =	sshrl.u32 s5, $0x3  }
0xd: {  	s6 =	smax.u32 s6, $0x1;
	s8 =	sshrl.u32 s8, $0x3;
	s12 =	sshll.u32 s10, $0x1  }
0xe: {  	s11 =	sadd.s32 $0x4000, s11;
	s5 =	sadd.s32 s5, s4;
	s4 =	sadd.s32 $0xEA00, s4  }
0xf: {  	s5 =	sadd.s32 $0x1A00, s5;
	s13 =	sadd.s32 s4, s9;
	s7 =	sadd.s32 s4, s8  }
0x10: {  	s12 =	sadd.s32 s4, s12;
	s8 =	sadd.s32 $0x400, s13;
	s9 =	sadd.s32 $0x6000, s7  }
0x11: {  	s10 =	sadd.s32 $0x6400, s13;
	s12 =	sadd.s32 $0xC00, s12;
	s13 =	simm.s32 $0x5  }
.LBB2_1:
0x12: {  	[tilespmem:s2], [sflag:$0x5] =	stream.linear.gather [hbm4b:s5+s2], $0x3400, $0x38;
	[tilespmem:$0x7400] =	vst v63  }
0x13: {  	_ =	swait.ge [sflag:s13], $0x3400  }
0x14: {  	[sflag:s13] =	ssyncset.done $0x0  }
0x15: {  	[sflag:s13] =	ssyncadd.s32 $0xFFFFCC00  }
0x16: {  	[tilespmem:s15], [sflag:$0x1] =	stream.indirect.gather [hbm4b:s3+s14], $0x10, s2, s14, $0xb8;
	[tilespmem:$0x7400] =	vst v63  }
0x17: {  	_ = 	snop  }
0x18: {  	[tilespmem:s16], [sflag:$0x2] =	stream.indirect.gather [hbm4b:s3+s14], $0x10, s14, s14, $0xb8;
	[tilespmem:$0x7400] =	vst v63  }
0x19: {  	_ =	swait.ge [sflag:s17], $0x2000  }
0x1a: {  	[sflag:s17] =	ssyncset.done $0x0  }
0x1b: {  	[sflag:s17] =	ssyncadd.s32 $0xFFFFE000  }
0x1c: {  	[hbm4b:s7+s2] =	stream.linear.scatter [tilespmem:s15], [sflag:$0x3], $0x2000, $0x38;
	[tilespmem:$0x7400] =	vst v63  }
0x1d: {  	_ =	swait.ge [sflag:s18], $0x2000  }
0x1e: {  	[sflag:s18] =	ssyncset.done $0x0  }
0x1f: {  	[sflag:s18] =	ssyncadd.s32 $0xFFFFE000  }
0x20: {  	[tilespmem:s15], [sflag:$0x1] =	stream.indirect.gather [hbm4b:s3+s14], $0x10, s19, s14, $0xb8;
	[tilespmem:$0x7400] =	vst v63  }
0x21: {  	_ =	swait.ge [sflag:s20], $0x2000  }
0x22: {  	[sflag:s20] =	ssyncset.done $0x0  }
0x23: {  	[sflag:s20] =	ssyncadd.s32 $0xFFFFE000  }
0x24: {  	[hbm4b:s8+s2] =	stream.linear.scatter [tilespmem:s16], [sflag:$0x4], $0x2000, $0x38;
	[tilespmem:$0x7400] =	vst v63  }
0x25: {  	_ =	swait.ge [sflag:s21], $0x2000  }
0x26: {  	[sflag:s21] =	ssyncset.done $0x0  }
0x27: {  	s24 =	simm.s32 $0x600;
	[sflag:s21] =	ssyncadd.s32 $0xFFFFE000  }
0x28: {  	[tilespmem:s16], [sflag:$0x2] =	stream.indirect.gather [hbm4b:s3+s14], $0x10, s24, s14, $0xb8;
	[tilespmem:$0x7400] =	vst v63  }
0x29: {  	_ =	swait.ge [sflag:s17], $0x2000  }
0x2a: {  	s30 =	sshrl.u32 s11, $0x3;
	[sflag:s17] =	ssyncset.done $0x0  }
0x2b: {  	s24 =	sadd.s32 s4, s30;
	[sflag:s17] =	ssyncadd.s32 $0xFFFFE000  }
0x2c: {  	[hbm4b:s24+s2] =	stream.linear.scatter [tilespmem:s15], [sflag:$0x3], $0x2000, $0x38;
	[tilespmem:$0x7400] =	vst v63  }
0x2d: {  	_ =	swait.ge [sflag:s18], $0x2000  }
0x2e: {  	[sflag:s18] =	ssyncset.done $0x0  }
0x2f: {  	s31 =	simm.s32 $0x800;
	[sflag:s18] =	ssyncadd.s32 $0xFFFFE000  }
0x30: {  	[tilespmem:s15], [sflag:$0x1] =	stream.indirect.gather [hbm4b:s3+s14], $0x10, s31, s14, $0xb8;
	[tilespmem:$0x7400] =	vst v63  }
0x31: {  	_ =	swait.ge [sflag:s20], $0x2000  }
0x32: {  	s25 =	simm.s32 $0xA00;
	s28 =	sadd.s32 $0x0, s12;
	[sflag:s20] =	ssyncset.done $0x0  }
0x33: {  	s26 =	sadd.s32 $0x4000, s11;
	s24 =	simm.s32 $0x800;
	[sflag:s20] =	ssyncadd.s32 $0xFFFFE000  }
.LBB2_2:
0x34: {  	[hbm4b:s28+s2] =	stream.linear.scatter [tilespmem:s16], [sflag:$0x4], $0x2000, $0x38;
	[tilespmem:$0x7400] =	vst v63  }
0x35: {  	s28 =	smov.u32 s24  }
0x36: {  	p0 =	sne.s32 s24, $0x5000;
	s24 =	sadd.s32 $0x800, s24;
	_ =	swait.ge [sflag:s21], $0x2000  }
0x37: {  	[sflag:s21] =	ssyncset.done $0x0  }
0x38: {  	[sflag:s21] =	ssyncadd.s32 $0xFFFFE000  }
0x39: {  	[tilespmem:s16], [sflag:$0x2] =	stream.indirect.gather [hbm4b:s3+s14], $0x10, s25, s14, $0xb8;
	[tilespmem:$0x7400] =	vst v63  }
0x3a: {  	_ =	swait.ge [sflag:s17], $0x2000  }
0x3b: {  	s29 =	sshrl.u32 s26, $0x3;
	[sflag:s17] =	ssyncset.done $0x0  }
0x3c: {  	s29 =	sadd.s32 s4, s29;
	[sflag:s17] =	ssyncadd.s32 $0xFFFFE000  }
0x3d: {  	[hbm4b:s29+s2] =	stream.linear.scatter [tilespmem:s15], [sflag:$0x3], $0x2000, $0x38;
	[tilespmem:$0x7400] =	vst v63  }
0x3e: {  	_ =	swait.ge [sflag:s18], $0x2000  }
0x3f: {  	[sflag:s18] =	ssyncset.done $0x0  }
.Ltmp0:
0x40: {  	s29 =	sadd.s32 $0x200, s25;
	[sflag:s18] =	ssyncadd.s32 $0xFFFFE000;
	(pc) =	sbr.rel @p0 .LBB2_2-.Ltmp0, $4  }
0x41: {  	[tilespmem:s15], [sflag:$0x1] =	stream.indirect.gather [hbm4b:s3+s14], $0x10, s29, s14, $0xb8;
	[tilespmem:$0x7400] =	vst v63  }
0x42: {  	_ =	swait.ge [sflag:s20], $0x2000  }
0x43: {  	s25 =	sadd.s32 $0x400, s25;
	[sflag:s20] =	ssyncset.done $0x0  }
0x44: {  	s26 =	sadd.s32 $0x4000, s26;
	s28 =	sadd.s32 s28, s12;
	[sflag:s20] =	ssyncadd.s32 $0xFFFFE000  }
0x45: {  	[hbm4b:s28+s2] =	stream.linear.scatter [tilespmem:s16], [sflag:$0x4], $0x2000, $0x38;
	[tilespmem:$0x7400] =	vst v63  }
0x46: {  	_ =	swait.ge [sflag:s21], $0x2000  }
0x47: {  	[sflag:s21] =	ssyncset.done $0x0  }
0x48: {  	[sflag:s21] =	ssyncadd.s32 $0xFFFFE000  }
0x49: {  	[tilespmem:s16], [sflag:$0x2] =	stream.indirect.gather [hbm4b:s3+s14], $0x10, s22, s14, $0xb8;
	[tilespmem:$0x7400] =	vst v63  }
0x4a: {  	_ =	swait.ge [sflag:s17], $0x2000  }
0x4b: {  	[sflag:s17] =	ssyncset.done $0x0  }
0x4c: {  	[sflag:s17] =	ssyncadd.s32 $0xFFFFE000  }
0x4d: {  	[hbm4b:s9+s2] =	stream.linear.scatter [tilespmem:s15], [sflag:$0x3], $0x2000, $0x38;
	[tilespmem:$0x7400] =	vst v63  }
0x4e: {  	_ =	swait.ge [sflag:s18], $0x2000  }
0x4f: {  	[sflag:s18] =	ssyncset.done $0x0  }
0x50: {  	[sflag:s18] =	ssyncadd.s32 $0xFFFFE000  }
0x51: {  	[tilespmem:s15], [sflag:$0x1] =	stream.indirect.gather [hbm4b:s3+s14], $0x10, s22, s14, $0xb8;
	[tilespmem:$0x7400] =	vst v63  }
0x52: {  	_ =	swait.ge [sflag:s20], $0x2000  }
0x53: {  	[sflag:s20] =	ssyncset.done $0x0  }
0x54: {  	s23 =	sadd.s32 $0x1, s23;
	[sflag:s20] =	ssyncadd.s32 $0xFFFFE000  }
0x55: {  	[hbm4b:s10+s2] =	stream.linear.scatter [tilespmem:s16], [sflag:$0x4], $0x2000, $0x38;
	[tilespmem:$0x7400] =	vst v63  }
0x56: {  	p0 =	sne.s32 s23, s6;
	_ =	swait.ge [sflag:s17], $0x2000  }
.Ltmp1:
0x57: {  	[sflag:s17] =	ssyncset.done $0x0;
	(pc) =	sbr.rel @p0 .LBB2_1-.Ltmp1, $4  }
0x58: {  	[sflag:s17] =	ssyncadd.s32 $0xFFFFE000  }
0x59: {  	_ =	swait.ge [sflag:s21], $0x2000  }
0x5a: {  	[sflag:s21] =	ssyncset.done $0x0  }
0x5b: {  	[sflag:s21] =	ssyncadd.s32 $0xFFFFE000  }
0x5c: {  	_ =	sfence.sel $0x180000  }
0x5d: {  	[bflag:$0x0] =	sbarrier.arrive $0xFFFF  }
0x5e: {  	p0 =	sne.s32 s0, $0x0;
	_ =	strace $0x90000047  }
0x5f: {  	s0 =	sadd.s32 @!p0 $0x100000, s1;
	[bflag:$0x2] =	sbarrier.arrive $0xFFFF  }
0x60: {  	[sflag:s0] =	ssyncadd.tile.s32 @!p0 $0x1;
	_ =	shalt  }
.Lfunc_end2:
_tile_overlayer_lowered:
.L_overlay_start_2:
0x61: {  	(tag) =	ssettag $0x2  }
0x62: {  	s0 =	rddreg [dreg:$0x0];
	s2 =	stileid.u32  }
0x63: {  	s1 =	rddreg [dreg:$0x1];
	p0 =	sne.s32 s2, $0x0  }
0x64: {  	s3 =	rddreg [dreg:$0x2];
	[bflag:$0x3] =	sbarrier.arrive $0xFFFF;
	s2 =	simm.s32 @!p0 $0x1C05  }
0x65: {  	[timem:s3], [sflag:s2] =	dma.local @!p0 [hbm:s0], s1  }
0x66: {  	s0 =	simm.s32 @!p0 $0x5  }
0x67: {  	_ =	swait.ge @!p0 [sflag:s0], s1  }
0x68: {  	s1 =	ssub.s32 @!p0 $0x0, s1;
	[sflag:s0] =	ssyncset.done @!p0 $0x0  }
0x69: {  	[sflag:s0] =	ssyncadd.s32 @!p0 s1  }
0x6a: {  	[bflag:$0x3] =	sbarrier.arrive $0xFFFF  }
0x6b: {  	_ =	shalt  }

</sc_bundles>
